<compile_context>
chip_gen: v7x
topology: tpu7x:2x2x1
jax: 0.10.2.dev20260603
libtpu: 0.0.44.dev20260713+nightly
codegen_flags: <defaults>
</compile_context>

<pallas_src>
import jax
import jax.numpy as jnp
from jax import lax
from jax.experimental import pallas as pl
from jax.experimental.pallas import tpu as pltpu
from jax.experimental.pallas import tpu_sc as plsc
from jax._src.pallas import mpmd as _pl_mpmd
from jax._src.pallas.mosaic import core as _tpu_core

_LANES = 16
_NUM_SUBCORES = 8
_B = 4096
_BPW = _B // _NUM_SUBCORES
_TABLE = 1001

_scs_mesh = plsc.ScalarSubcoreMesh(axis_name="c", num_cores=1)
_tec_mesh = plsc.VectorSubcoreMesh(
    core_axis_name="c", subcore_axis_name="s", num_cores=1,
    num_subcores=_NUM_SUBCORES,
)


def _scs_fn(betas_hbm, t_hbm, out_hbm, table_sh, idx_sh, rdy_i, rdy_t, sem_scs):
    idx_cp = pltpu.async_copy(t_hbm, idx_sh, sem_scs)
    tbl_cp = pltpu.async_copy(betas_hbm, table_sh, sem_scs)
    idx_cp.wait()
    for i in range(_NUM_SUBCORES):
        pl.semaphore_signal(rdy_i, 1, device_id={"s": i})
    tbl_cp.wait()
    for i in range(_NUM_SUBCORES):
        pl.semaphore_signal(rdy_t, 1, device_id={"s": i})


def _tec_fn(betas_hbm, t_hbm, out_hbm, table_sh, idx_sh, rdy_i, rdy_t, sem_scs):
    wid = lax.axis_index("s")
    base = wid * _BPW

    def body(table_v, idx_v, out_v, sem_tec):
        pl.semaphore_wait(rdy_i, 1)
        idx_cp = pltpu.async_copy(idx_sh.at[pl.ds(base, _BPW)], idx_v, sem_tec)
        pl.semaphore_wait(rdy_t, 1)
        tbl_cp = pltpu.async_copy(table_sh, table_v, sem_tec)
        idx_cp.wait()
        tbl_cp.wait()
        for j in range(_BPW // _LANES):
            idx = idx_v[pl.ds(j * _LANES, _LANES)]
            out_v[pl.ds(j * _LANES, _LANES)] = plsc.load_gather(table_v, [idx])
        pltpu.sync_copy(out_v, out_hbm.at[pl.ds(base, _BPW)])

    pl.run_scoped(
        body,
        pltpu.VMEM((_TABLE,), jnp.float32),
        pltpu.VMEM((_BPW,), jnp.int32),
        pltpu.VMEM((_BPW,), jnp.float32),
        pltpu.SemaphoreType.DMA,
    )


_gather_sc = _pl_mpmd.mpmd_map(
    [(_scs_mesh, _scs_fn), (_tec_mesh, _tec_fn)],
    out_types=[jax.ShapeDtypeStruct((_B,), jnp.float32)],
    scratch_types=[
        _tpu_core.MemorySpace.VMEM_SHARED((_TABLE,), jnp.float32),
        _tpu_core.MemorySpace.VMEM_SHARED((_B,), jnp.int32),
        pltpu.SemaphoreType.REGULAR @ _tec_mesh,
        pltpu.SemaphoreType.REGULAR @ _tec_mesh,
        pltpu.SemaphoreType.DMA @ _scs_mesh,
    ],
    compiler_params=pltpu.CompilerParams(needs_layout_passes=False),
)


def kernel(betas, t_int):
    (out,) = _gather_sc(betas.astype(jnp.float32), t_int.astype(jnp.int32))
    return out

# --- scband reference (transcript-rebuilt; emitter-appended) ---
"""Pipeline reference for scband-predefined-noise-schedule-discrete-10153302687848 (READ-ONLY COPY).

The authoritative reference and input builder live on the scoring server;
editing this copy changes nothing except your own understanding.
"""

import jax, jax.numpy as jnp
import numpy as np


def cosine_beta_schedule_discrete(timesteps, s=0.0):
    """Cosine schedule as in DiGress / Nichol & Dhariwal, discrete version.
    Returns timesteps+1 beta values."""
    steps = timesteps + 2
    x = np.linspace(0, steps, steps)
    alphas_cumprod = np.cos(0.5 * np.pi * ((x / steps) + s) / (1 + s)) ** 2
    alphas_cumprod = alphas_cumprod / alphas_cumprod[0]
    alphas = alphas_cumprod[1:] / alphas_cumprod[:-1]
    betas = 1.0 - alphas
    return np.squeeze(betas)


TIMESTEPS = 1000


def setup_inputs(seed: int = 0) -> dict:
    key = jax.random.key(seed)
    betas_np = cosine_beta_schedule_discrete(TIMESTEPS, s=0.0)
    betas = jnp.asarray(betas_np, dtype=jnp.float32)
    t_int = jax.random.randint(key, (4096,), 0, TIMESTEPS, dtype=jnp.int32)
    return {"betas": betas, "t_int": t_int}


def reference(betas, t_int):
    # forward(t_int=...): return self.betas[t_int.long()]
    idx = t_int.astype(jnp.int32)
    return jnp.take(betas, idx, axis=0)

if __name__ == "__main__":
    import jax
    _d = setup_inputs()
    print(jax.jit(kernel)(*tuple(_d.values())))

</pallas_src>

<mosaic_0001>
#map = affine_map<(d0) -> (0)>
#map1 = affine_map<(d0, d1) -> (0)>
module attributes {stable_mosaic.version = 14 : i64} {
  func.func @_scs_fn(%arg0: i32, %arg1: memref<1001xf32, #tpu.memory_space<hbm>>, %arg2: memref<4096xi32, #tpu.memory_space<hbm>>, %arg3: memref<4096xf32, #tpu.memory_space<hbm>>, %arg4: memref<1001xf32, #tpu.memory_space<vmem_shared>>, %arg5: memref<4096xi32, #tpu.memory_space<vmem_shared>>, %arg6: memref<!tpu.semaphore, #tpu.memory_space<semaphore_mem, sc_vector_subcore>>, %arg7: memref<!tpu.semaphore, #tpu.memory_space<semaphore_mem, sc_vector_subcore>>, %arg8: memref<!tpu.dma_semaphore, #tpu.memory_space<semaphore_mem>>) attributes {dimension_semantics = [#tpu.dimension_semantics<core_parallel>], iteration_bounds = array<i64: 1>, scalar_prefetch = 0 : i64, scratch_operands = 5 : i64, tpu.core_type = #tpu.core_type<sc_scalar_subcore>, window_params = [{transform_indices = #map}, {transform_indices = #map}, {transform_indices = #map}]} {
    tpu.enqueue_dma source(%arg2 : memref<4096xi32, #tpu.memory_space<hbm>>) target(%arg5 : memref<4096xi32, #tpu.memory_space<vmem_shared>>) target_semaphore(%arg8 : memref<!tpu.dma_semaphore, #tpu.memory_space<semaphore_mem>>)
    tpu.enqueue_dma source(%arg1 : memref<1001xf32, #tpu.memory_space<hbm>>) target(%arg4 : memref<1001xf32, #tpu.memory_space<vmem_shared>>) target_semaphore(%arg8 : memref<!tpu.dma_semaphore, #tpu.memory_space<semaphore_mem>>)
    tpu.wait_dma2 semaphore(%arg8 : memref<!tpu.dma_semaphore, #tpu.memory_space<semaphore_mem>>) src(%arg2 : memref<4096xi32, #tpu.memory_space<hbm>>) dst(%arg5 : memref<4096xi32, #tpu.memory_space<vmem_shared>>)
    %semaphore_signal3A = arith.constant 1 : i32
    %semaphore_signal3A_0 = arith.constant 0 : i32
    tpu.sem_signal %arg6, %semaphore_signal3A core_id %arg0 subcore_id %semaphore_signal3A_0 : memref<!tpu.semaphore, #tpu.memory_space<semaphore_mem, sc_vector_subcore>>
    %semaphore_signal3A_1 = arith.constant 1 : i32
    %semaphore_signal3A_2 = arith.constant 1 : i32
    tpu.sem_signal %arg6, %semaphore_signal3A_1 core_id %arg0 subcore_id %semaphore_signal3A_2 : memref<!tpu.semaphore, #tpu.memory_space<semaphore_mem, sc_vector_subcore>>
    %semaphore_signal3A_3 = arith.constant 1 : i32
    %semaphore_signal3A_4 = arith.constant 2 : i32
    tpu.sem_signal %arg6, %semaphore_signal3A_3 core_id %arg0 subcore_id %semaphore_signal3A_4 : memref<!tpu.semaphore, #tpu.memory_space<semaphore_mem, sc_vector_subcore>>
    %semaphore_signal3A_5 = arith.constant 1 : i32
    %semaphore_signal3A_6 = arith.constant 3 : i32
    tpu.sem_signal %arg6, %semaphore_signal3A_5 core_id %arg0 subcore_id %semaphore_signal3A_6 : memref<!tpu.semaphore, #tpu.memory_space<semaphore_mem, sc_vector_subcore>>
    %semaphore_signal3A_7 = arith.constant 1 : i32
    %semaphore_signal3A_8 = arith.constant 4 : i32
    tpu.sem_signal %arg6, %semaphore_signal3A_7 core_id %arg0 subcore_id %semaphore_signal3A_8 : memref<!tpu.semaphore, #tpu.memory_space<semaphore_mem, sc_vector_subcore>>
    %semaphore_signal3A_9 = arith.constant 1 : i32
    %semaphore_signal3A_10 = arith.constant 5 : i32
    tpu.sem_signal %arg6, %semaphore_signal3A_9 core_id %arg0 subcore_id %semaphore_signal3A_10 : memref<!tpu.semaphore, #tpu.memory_space<semaphore_mem, sc_vector_subcore>>
    %semaphore_signal3A_11 = arith.constant 1 : i32
    %semaphore_signal3A_12 = arith.constant 6 : i32
    tpu.sem_signal %arg6, %semaphore_signal3A_11 core_id %arg0 subcore_id %semaphore_signal3A_12 : memref<!tpu.semaphore, #tpu.memory_space<semaphore_mem, sc_vector_subcore>>
    %semaphore_signal3A_13 = arith.constant 1 : i32
    %semaphore_signal3A_14 = arith.constant 7 : i32
    tpu.sem_signal %arg6, %semaphore_signal3A_13 core_id %arg0 subcore_id %semaphore_signal3A_14 : memref<!tpu.semaphore, #tpu.memory_space<semaphore_mem, sc_vector_subcore>>
    tpu.wait_dma2 semaphore(%arg8 : memref<!tpu.dma_semaphore, #tpu.memory_space<semaphore_mem>>) src(%arg1 : memref<1001xf32, #tpu.memory_space<hbm>>) dst(%arg4 : memref<1001xf32, #tpu.memory_space<vmem_shared>>)
    %semaphore_signal3A_15 = arith.constant 1 : i32
    %semaphore_signal3A_16 = arith.constant 0 : i32
    tpu.sem_signal %arg7, %semaphore_signal3A_15 core_id %arg0 subcore_id %semaphore_signal3A_16 : memref<!tpu.semaphore, #tpu.memory_space<semaphore_mem, sc_vector_subcore>>
    %semaphore_signal3A_17 = arith.constant 1 : i32
    %semaphore_signal3A_18 = arith.constant 1 : i32
    tpu.sem_signal %arg7, %semaphore_signal3A_17 core_id %arg0 subcore_id %semaphore_signal3A_18 : memref<!tpu.semaphore, #tpu.memory_space<semaphore_mem, sc_vector_subcore>>
    %semaphore_signal3A_19 = arith.constant 1 : i32
    %semaphore_signal3A_20 = arith.constant 2 : i32
    tpu.sem_signal %arg7, %semaphore_signal3A_19 core_id %arg0 subcore_id %semaphore_signal3A_20 : memref<!tpu.semaphore, #tpu.memory_space<semaphore_mem, sc_vector_subcore>>
    %semaphore_signal3A_21 = arith.constant 1 : i32
    %semaphore_signal3A_22 = arith.constant 3 : i32
    tpu.sem_signal %arg7, %semaphore_signal3A_21 core_id %arg0 subcore_id %semaphore_signal3A_22 : memref<!tpu.semaphore, #tpu.memory_space<semaphore_mem, sc_vector_subcore>>
    %semaphore_signal3A_23 = arith.constant 1 : i32
    %semaphore_signal3A_24 = arith.constant 4 : i32
    tpu.sem_signal %arg7, %semaphore_signal3A_23 core_id %arg0 subcore_id %semaphore_signal3A_24 : memref<!tpu.semaphore, #tpu.memory_space<semaphore_mem, sc_vector_subcore>>
    %semaphore_signal3A_25 = arith.constant 1 : i32
    %semaphore_signal3A_26 = arith.constant 5 : i32
    tpu.sem_signal %arg7, %semaphore_signal3A_25 core_id %arg0 subcore_id %semaphore_signal3A_26 : memref<!tpu.semaphore, #tpu.memory_space<semaphore_mem, sc_vector_subcore>>
    %semaphore_signal3A_27 = arith.constant 1 : i32
    %semaphore_signal3A_28 = arith.constant 6 : i32
    tpu.sem_signal %arg7, %semaphore_signal3A_27 core_id %arg0 subcore_id %semaphore_signal3A_28 : memref<!tpu.semaphore, #tpu.memory_space<semaphore_mem, sc_vector_subcore>>
    %semaphore_signal3A_29 = arith.constant 1 : i32
    %semaphore_signal3A_30 = arith.constant 7 : i32
    tpu.sem_signal %arg7, %semaphore_signal3A_29 core_id %arg0 subcore_id %semaphore_signal3A_30 : memref<!tpu.semaphore, #tpu.memory_space<semaphore_mem, sc_vector_subcore>>
    return
  }
  func.func @_tec_fn(%arg0: i32, %arg1: i32, %arg2: memref<1001xf32, #tpu.memory_space<hbm>>, %arg3: memref<4096xi32, #tpu.memory_space<hbm>>, %arg4: memref<4096xf32, #tpu.memory_space<hbm>>, %arg5: memref<1001xf32, #tpu.memory_space<vmem_shared>>, %arg6: memref<4096xi32, #tpu.memory_space<vmem_shared>>, %arg7: memref<!tpu.semaphore, #tpu.memory_space<semaphore_mem>>, %arg8: memref<!tpu.semaphore, #tpu.memory_space<semaphore_mem>>, %arg9: memref<!tpu.dma_semaphore, #tpu.memory_space<semaphore_mem, sc_scalar_subcore>>) attributes {dimension_semantics = [#tpu.dimension_semantics<core_parallel>, #tpu.dimension_semantics<subcore_parallel>], iteration_bounds = array<i64: 1, 8>, scalar_prefetch = 0 : i64, scratch_operands = 5 : i64, tpu.core_type = #tpu.core_type<sc_vector_subcore>, window_params = [{transform_indices = #map1}, {transform_indices = #map1}, {transform_indices = #map1}]} {
    %mul3A = arith.constant 512 : i32
    %mul3A_0 = arith.muli %arg1, %mul3A : i32
    "tpu.region"() ({
      %run_scoped3A = memref.alloca() : memref<1001xf32, #tpu.memory_space<vmem>>
      %run_scoped3A_1 = memref.alloca() : memref<512xi32, #tpu.memory_space<vmem>>
      %run_scoped3A_2 = memref.alloca() : memref<512xf32, #tpu.memory_space<vmem>>
      %run_scoped3A_3 = tpu.sem_alloc : memref<!tpu.dma_semaphore, #tpu.memory_space<semaphore_mem>>
      %semaphore_wait3A = arith.constant 1 : i32
      %semaphore_wait3A_4 = arith.constant true
      tpu.sem_wait %arg7, %semaphore_wait3A : memref<!tpu.semaphore, #tpu.memory_space<semaphore_mem>>
      %dma_start3A = tpu.memref_slice %arg6[%mul3A_0] : memref<4096xi32, #tpu.memory_space<vmem_shared>> -> memref<512xi32, #tpu.memory_space<vmem_shared>>
      %dma_start3A_5 = tpu.memref_slice %arg6[%mul3A_0] : memref<4096xi32, #tpu.memory_space<vmem_shared>> -> memref<512xi32, #tpu.memory_space<vmem_shared>>
      tpu.enqueue_dma source(%dma_start3A_5 : memref<512xi32, #tpu.memory_space<vmem_shared>>) target(%run_scoped3A_1 : memref<512xi32, #tpu.memory_space<vmem>>) target_semaphore(%run_scoped3A_3 : memref<!tpu.dma_semaphore, #tpu.memory_space<semaphore_mem>>)
      %semaphore_wait3A_6 = arith.constant 1 : i32
      %semaphore_wait3A_7 = arith.constant true
      tpu.sem_wait %arg8, %semaphore_wait3A_6 : memref<!tpu.semaphore, #tpu.memory_space<semaphore_mem>>
      tpu.enqueue_dma source(%arg5 : memref<1001xf32, #tpu.memory_space<vmem_shared>>) target(%run_scoped3A : memref<1001xf32, #tpu.memory_space<vmem>>) target_semaphore(%run_scoped3A_3 : memref<!tpu.dma_semaphore, #tpu.memory_space<semaphore_mem>>)
      %dma_wait3A = tpu.memref_slice %arg6[%mul3A_0] : memref<4096xi32, #tpu.memory_space<vmem_shared>> -> memref<512xi32, #tpu.memory_space<vmem_shared>>
      %dma_wait3A_8 = tpu.memref_slice %arg6[%mul3A_0] : memref<4096xi32, #tpu.memory_space<vmem_shared>> -> memref<512xi32, #tpu.memory_space<vmem_shared>>
      tpu.wait_dma2 semaphore(%run_scoped3A_3 : memref<!tpu.dma_semaphore, #tpu.memory_space<semaphore_mem>>) src(%dma_wait3A_8 : memref<512xi32, #tpu.memory_space<vmem_shared>>) dst(%run_scoped3A_1 : memref<512xi32, #tpu.memory_space<vmem>>)
      tpu.wait_dma2 semaphore(%run_scoped3A_3 : memref<!tpu.dma_semaphore, #tpu.memory_space<semaphore_mem>>) src(%arg5 : memref<1001xf32, #tpu.memory_space<vmem_shared>>) dst(%run_scoped3A : memref<1001xf32, #tpu.memory_space<vmem>>)
      %get3A = arith.constant 0 : index
      %get3A_9 = tpu.vector_load %run_scoped3A_1[%get3A] {strides = array<i32>} : memref<512xi32, #tpu.memory_space<vmem>>, vector<16xi32>,
      %gather3A = tpu.vector_load_idx %run_scoped3A[%get3A_9] : memref<1001xf32, #tpu.memory_space<vmem>>[vector<16xi32>], vector<16xf32>,
      %swap3A = arith.constant 0 : index
      %swap3A_10 = tpu.vector_load %run_scoped3A_2[%swap3A] {strides = array<i32>} : memref<512xf32, #tpu.memory_space<vmem>>, vector<16xf32>,
      tpu.vector_store %run_scoped3A_2[%swap3A], %gather3A {strides = array<i32>} : memref<512xf32, #tpu.memory_space<vmem>>, vector<16xf32>,
      %get3A_11 = arith.constant 16 : index
      %get3A_12 = tpu.vector_load %run_scoped3A_1[%get3A_11] {strides = array<i32>} : memref<512xi32, #tpu.memory_space<vmem>>, vector<16xi32>,
      %gather3A_13 = tpu.vector_load_idx %run_scoped3A[%get3A_12] : memref<1001xf32, #tpu.memory_space<vmem>>[vector<16xi32>], vector<16xf32>,
      %swap3A_14 = arith.constant 16 : index
      %swap3A_15 = tpu.vector_load %run_scoped3A_2[%swap3A_14] {strides = array<i32>} : memref<512xf32, #tpu.memory_space<vmem>>, vector<16xf32>,
      tpu.vector_store %run_scoped3A_2[%swap3A_14], %gather3A_13 {strides = array<i32>} : memref<512xf32, #tpu.memory_space<vmem>>, vector<16xf32>,
      %get3A_16 = arith.constant 32 : index
      %get3A_17 = tpu.vector_load %run_scoped3A_1[%get3A_16] {strides = array<i32>} : memref<512xi32, #tpu.memory_space<vmem>>, vector<16xi32>,
      %gather3A_18 = tpu.vector_load_idx %run_scoped3A[%get3A_17] : memref<1001xf32, #tpu.memory_space<vmem>>[vector<16xi32>], vector<16xf32>,
      %swap3A_19 = arith.constant 32 : index
      %swap3A_20 = tpu.vector_load %run_scoped3A_2[%swap3A_19] {strides = array<i32>} : memref<512xf32, #tpu.memory_space<vmem>>, vector<16xf32>,
      tpu.vector_store %run_scoped3A_2[%swap3A_19], %gather3A_18 {strides = array<i32>} : memref<512xf32, #tpu.memory_space<vmem>>, vector<16xf32>,
      %get3A_21 = arith.constant 48 : index
      %get3A_22 = tpu.vector_load %run_scoped3A_1[%get3A_21] {strides = array<i32>} : memref<512xi32, #tpu.memory_space<vmem>>, vector<16xi32>,
      %gather3A_23 = tpu.vector_load_idx %run_scoped3A[%get3A_22] : memref<1001xf32, #tpu.memory_space<vmem>>[vector<16xi32>], vector<16xf32>,
      %swap3A_24 = arith.constant 48 : index
      %swap3A_25 = tpu.vector_load %run_scoped3A_2[%swap3A_24] {strides = array<i32>} : memref<512xf32, #tpu.memory_space<vmem>>, vector<16xf32>,
      tpu.vector_store %run_scoped3A_2[%swap3A_24], %gather3A_23 {strides = array<i32>} : memref<512xf32, #tpu.memory_space<vmem>>, vector<16xf32>,
      %get3A_26 = arith.constant 64 : index
      %get3A_27 = tpu.vector_load %run_scoped3A_1[%get3A_26] {strides = array<i32>} : memref<512xi32, #tpu.memory_space<vmem>>, vector<16xi32>,
      %gather3A_28 = tpu.vector_load_idx %run_scoped3A[%get3A_27] : memref<1001xf32, #tpu.memory_space<vmem>>[vector<16xi32>], vector<16xf32>,
      %swap3A_29 = arith.constant 64 : index
      %swap3A_30 = tpu.vector_load %run_scoped3A_2[%swap3A_29] {strides = array<i32>} : memref<512xf32, #tpu.memory_space<vmem>>, vector<16xf32>,
      tpu.vector_store %run_scoped3A_2[%swap3A_29], %gather3A_28 {strides = array<i32>} : memref<512xf32, #tpu.memory_space<vmem>>, vector<16xf32>,
      %get3A_31 = arith.constant 80 : index
      %get3A_32 = tpu.vector_load %run_scoped3A_1[%get3A_31] {strides = array<i32>} : memref<512xi32, #tpu.memory_space<vmem>>, vector<16xi32>,
      %gather3A_33 = tpu.vector_load_idx %run_scoped3A[%get3A_32] : memref<1001xf32, #tpu.memory_space<vmem>>[vector<16xi32>], vector<16xf32>,
      %swap3A_34 = arith.constant 80 : index
      %swap3A_35 = tpu.vector_load %run_scoped3A_2[%swap3A_34] {strides = array<i32>} : memref<512xf32, #tpu.memory_space<vmem>>, vector<16xf32>,
      tpu.vector_store %run_scoped3A_2[%swap3A_34], %gather3A_33 {strides = array<i32>} : memref<512xf32, #tpu.memory_space<vmem>>, vector<16xf32>,
      %get3A_36 = arith.constant 96 : index
      %get3A_37 = tpu.vector_load %run_scoped3A_1[%get3A_36] {strides = array<i32>} : memref<512xi32, #tpu.memory_space<vmem>>, vector<16xi32>,
      %gather3A_38 = tpu.vector_load_idx %run_scoped3A[%get3A_37] : memref<1001xf32, #tpu.memory_space<vmem>>[vector<16xi32>], vector<16xf32>,
      %swap3A_39 = arith.constant 96 : index
      %swap3A_40 = tpu.vector_load %run_scoped3A_2[%swap3A_39] {strides = array<i32>} : memref<512xf32, #tpu.memory_space<vmem>>, vector<16xf32>,
      tpu.vector_store %run_scoped3A_2[%swap3A_39], %gather3A_38 {strides = array<i32>} : memref<512xf32, #tpu.memory_space<vmem>>, vector<16xf32>,
      %get3A_41 = arith.constant 112 : index
      %get3A_42 = tpu.vector_load %run_scoped3A_1[%get3A_41] {strides = array<i32>} : memref<512xi32, #tpu.memory_space<vmem>>, vector<16xi32>,
      %gather3A_43 = tpu.vector_load_idx %run_scoped3A[%get3A_42] : memref<1001xf32, #tpu.memory_space<vmem>>[vector<16xi32>], vector<16xf32>,
      %swap3A_44 = arith.constant 112 : index
      %swap3A_45 = tpu.vector_load %run_scoped3A_2[%swap3A_44] {strides = array<i32>} : memref<512xf32, #tpu.memory_space<vmem>>, vector<16xf32>,
      tpu.vector_store %run_scoped3A_2[%swap3A_44], %gather3A_43 {strides = array<i32>} : memref<512xf32, #tpu.memory_space<vmem>>, vector<16xf32>,
      %get3A_46 = arith.constant 128 : index
      %get3A_47 = tpu.vector_load %run_scoped3A_1[%get3A_46] {strides = array<i32>} : memref<512xi32, #tpu.memory_space<vmem>>, vector<16xi32>,
      %gather3A_48 = tpu.vector_load_idx %run_scoped3A[%get3A_47] : memref<1001xf32, #tpu.memory_space<vmem>>[vector<16xi32>], vector<16xf32>,
      %swap3A_49 = arith.constant 128 : index
      %swap3A_50 = tpu.vector_load %run_scoped3A_2[%swap3A_49] {strides = array<i32>} : memref<512xf32, #tpu.memory_space<vmem>>, vector<16xf32>,
      tpu.vector_store %run_scoped3A_2[%swap3A_49], %gather3A_48 {strides = array<i32>} : memref<512xf32, #tpu.memory_space<vmem>>, vector<16xf32>,
      %get3A_51 = arith.constant 144 : index
      %get3A_52 = tpu.vector_load %run_scoped3A_1[%get3A_51] {strides = array<i32>} : memref<512xi32, #tpu.memory_space<vmem>>, vector<16xi32>,
      %gather3A_53 = tpu.vector_load_idx %run_scoped3A[%get3A_52] : memref<1001xf32, #tpu.memory_space<vmem>>[vector<16xi32>], vector<16xf32>,
      %swap3A_54 = arith.constant 144 : index
      %swap3A_55 = tpu.vector_load %run_scoped3A_2[%swap3A_54] {strides = array<i32>} : memref<512xf32, #tpu.memory_space<vmem>>, vector<16xf32>,
      tpu.vector_store %run_scoped3A_2[%swap3A_54], %gather3A_53 {strides = array<i32>} : memref<512xf32, #tpu.memory_space<vmem>>, vector<16xf32>,
      %get3A_56 = arith.constant 160 : index
      %get3A_57 = tpu.vector_load %run_scoped3A_1[%get3A_56] {strides = array<i32>} : memref<512xi32, #tpu.memory_space<vmem>>, vector<16xi32>,
      %gather3A_58 = tpu.vector_load_idx %run_scoped3A[%get3A_57] : memref<1001xf32, #tpu.memory_space<vmem>>[vector<16xi32>], vector<16xf32>,
      %swap3A_59 = arith.constant 160 : index
      %swap3A_60 = tpu.vector_load %run_scoped3A_2[%swap3A_59] {strides = array<i32>} : memref<512xf32, #tpu.memory_space<vmem>>, vector<16xf32>,
      tpu.vector_store %run_scoped3A_2[%swap3A_59], %gather3A_58 {strides = array<i32>} : memref<512xf32, #tpu.memory_space<vmem>>, vector<16xf32>,
      %get3A_61 = arith.constant 176 : index
      %get3A_62 = tpu.vector_load %run_scoped3A_1[%get3A_61] {strides = array<i32>} : memref<512xi32, #tpu.memory_space<vmem>>, vector<16xi32>,
      %gather3A_63 = tpu.vector_load_idx %run_scoped3A[%get3A_62] : memref<1001xf32, #tpu.memory_space<vmem>>[vector<16xi32>], vector<16xf32>,
      %swap3A_64 = arith.constant 176 : index
      %swap3A_65 = tpu.vector_load %run_scoped3A_2[%swap3A_64] {strides = array<i32>} : memref<512xf32, #tpu.memory_space<vmem>>, vector<16xf32>,
      tpu.vector_store %run_scoped3A_2[%swap3A_64], %gather3A_63 {strides = array<i32>} : memref<512xf32, #tpu.memory_space<vmem>>, vector<16xf32>,
      %get3A_66 = arith.constant 192 : index
      %get3A_67 = tpu.vector_load %run_scoped3A_1[%get3A_66] {strides = array<i32>} : memref<512xi32, #tpu.memory_space<vmem>>, vector<16xi32>,
      %gather3A_68 = tpu.vector_load_idx %run_scoped3A[%get3A_67] : memref<1001xf32, #tpu.memory_space<vmem>>[vector<16xi32>], vector<16xf32>,
      %swap3A_69 = arith.constant 192 : index
      %swap3A_70 = tpu.vector_load %run_scoped3A_2[%swap3A_69] {strides = array<i32>} : memref<512xf32, #tpu.memory_space<vmem>>, vector<16xf32>,
      tpu.vector_store %run_scoped3A_2[%swap3A_69], %gather3A_68 {strides = array<i32>} : memref<512xf32, #tpu.memory_space<vmem>>, vector<16xf32>,
      %get3A_71 = arith.constant 208 : index
      %get3A_72 = tpu.vector_load %run_scoped3A_1[%get3A_71] {strides = array<i32>} : memref<512xi32, #tpu.memory_space<vmem>>, vector<16xi32>,
      %gather3A_73 = tpu.vector_load_idx %run_scoped3A[%get3A_72] : memref<1001xf32, #tpu.memory_space<vmem>>[vector<16xi32>], vector<16xf32>,
      %swap3A_74 = arith.constant 208 : index
      %swap3A_75 = tpu.vector_load %run_scoped3A_2[%swap3A_74] {strides = array<i32>} : memref<512xf32, #tpu.memory_space<vmem>>, vector<16xf32>,
      tpu.vector_store %run_scoped3A_2[%swap3A_74], %gather3A_73 {strides = array<i32>} : memref<512xf32, #tpu.memory_space<vmem>>, vector<16xf32>,
      %get3A_76 = arith.constant 224 : index
      %get3A_77 = tpu.vector_load %run_scoped3A_1[%get3A_76] {strides = array<i32>} : memref<512xi32, #tpu.memory_space<vmem>>, vector<16xi32>,
      %gather3A_78 = tpu.vector_load_idx %run_scoped3A[%get3A_77] : memref<1001xf32, #tpu.memory_space<vmem>>[vector<16xi32>], vector<16xf32>,
      %swap3A_79 = arith.constant 224 : index
      %swap3A_80 = tpu.vector_load %run_scoped3A_2[%swap3A_79] {strides = array<i32>} : memref<512xf32, #tpu.memory_space<vmem>>, vector<16xf32>,
      tpu.vector_store %run_scoped3A_2[%swap3A_79], %gather3A_78 {strides = array<i32>} : memref<512xf32, #tpu.memory_space<vmem>>, vector<16xf32>,
      %get3A_81 = arith.constant 240 : index
      %get3A_82 = tpu.vector_load %run_scoped3A_1[%get3A_81] {strides = array<i32>} : memref<512xi32, #tpu.memory_space<vmem>>, vector<16xi32>,
      %gather3A_83 = tpu.vector_load_idx %run_scoped3A[%get3A_82] : memref<1001xf32, #tpu.memory_space<vmem>>[vector<16xi32>], vector<16xf32>,
      %swap3A_84 = arith.constant 240 : index
      %swap3A_85 = tpu.vector_load %run_scoped3A_2[%swap3A_84] {strides = array<i32>} : memref<512xf32, #tpu.memory_space<vmem>>, vector<16xf32>,
      tpu.vector_store %run_scoped3A_2[%swap3A_84], %gather3A_83 {strides = array<i32>} : memref<512xf32, #tpu.memory_space<vmem>>, vector<16xf32>,
      %get3A_86 = arith.constant 256 : index
      %get3A_87 = tpu.vector_load %run_scoped3A_1[%get3A_86] {strides = array<i32>} : memref<512xi32, #tpu.memory_space<vmem>>, vector<16xi32>,
      %gather3A_88 = tpu.vector_load_idx %run_scoped3A[%get3A_87] : memref<1001xf32, #tpu.memory_space<vmem>>[vector<16xi32>], vector<16xf32>,
      %swap3A_89 = arith.constant 256 : index
      %swap3A_90 = tpu.vector_load %run_scoped3A_2[%swap3A_89] {strides = array<i32>} : memref<512xf32, #tpu.memory_space<vmem>>, vector<16xf32>,
      tpu.vector_store %run_scoped3A_2[%swap3A_89], %gather3A_88 {strides = array<i32>} : memref<512xf32, #tpu.memory_space<vmem>>, vector<16xf32>,
      %get3A_91 = arith.constant 272 : index
      %get3A_92 = tpu.vector_load %run_scoped3A_1[%get3A_91] {strides = array<i32>} : memref<512xi32, #tpu.memory_space<vmem>>, vector<16xi32>,
      %gather3A_93 = tpu.vector_load_idx %run_scoped3A[%get3A_92] : memref<1001xf32, #tpu.memory_space<vmem>>[vector<16xi32>], vector<16xf32>,
      %swap3A_94 = arith.constant 272 : index
      %swap3A_95 = tpu.vector_load %run_scoped3A_2[%swap3A_94] {strides = array<i32>} : memref<512xf32, #tpu.memory_space<vmem>>, vector<16xf32>,
      tpu.vector_store %run_scoped3A_2[%swap3A_94], %gather3A_93 {strides = array<i32>} : memref<512xf32, #tpu.memory_space<vmem>>, vector<16xf32>,
      %get3A_96 = arith.constant 288 : index
      %get3A_97 = tpu.vector_load %run_scoped3A_1[%get3A_96] {strides = array<i32>} : memref<512xi32, #tpu.memory_space<vmem>>, vector<16xi32>,
      %gather3A_98 = tpu.vector_load_idx %run_scoped3A[%get3A_97] : memref<1001xf32, #tpu.memory_space<vmem>>[vector<16xi32>], vector<16xf32>,
      %swap3A_99 = arith.constant 288 : index
      %swap3A_100 = tpu.vector_load %run_scoped3A_2[%swap3A_99] {strides = array<i32>} : memref<512xf32, #tpu.memory_space<vmem>>, vector<16xf32>,
      tpu.vector_store %run_scoped3A_2[%swap3A_99], %gather3A_98 {strides = array<i32>} : memref<512xf32, #tpu.memory_space<vmem>>, vector<16xf32>,
      %get3A_101 = arith.constant 304 : index
      %get3A_102 = tpu.vector_load %run_scoped3A_1[%get3A_101] {strides = array<i32>} : memref<512xi32, #tpu.memory_space<vmem>>, vector<16xi32>,
      %gather3A_103 = tpu.vector_load_idx %run_scoped3A[%get3A_102] : memref<1001xf32, #tpu.memory_space<vmem>>[vector<16xi32>], vector<16xf32>,
      %swap3A_104 = arith.constant 304 : index
      %swap3A_105 = tpu.vector_load %run_scoped3A_2[%swap3A_104] {strides = array<i32>} : memref<512xf32, #tpu.memory_space<vmem>>, vector<16xf32>,
      tpu.vector_store %run_scoped3A_2[%swap3A_104], %gather3A_103 {strides = array<i32>} : memref<512xf32, #tpu.memory_space<vmem>>, vector<16xf32>,
      %get3A_106 = arith.constant 320 : index
      %get3A_107 = tpu.vector_load %run_scoped3A_1[%get3A_106] {strides = array<i32>} : memref<512xi32, #tpu.memory_space<vmem>>, vector<16xi32>,
      %gather3A_108 = tpu.vector_load_idx %run_scoped3A[%get3A_107] : memref<1001xf32, #tpu.memory_space<vmem>>[vector<16xi32>], vector<16xf32>,
      %swap3A_109 = arith.constant 320 : index
      %swap3A_110 = tpu.vector_load %run_scoped3A_2[%swap3A_109] {strides = array<i32>} : memref<512xf32, #tpu.memory_space<vmem>>, vector<16xf32>,
      tpu.vector_store %run_scoped3A_2[%swap3A_109], %gather3A_108 {strides = array<i32>} : memref<512xf32, #tpu.memory_space<vmem>>, vector<16xf32>,
      %get3A_111 = arith.constant 336 : index
      %get3A_112 = tpu.vector_load %run_scoped3A_1[%get3A_111] {strides = array<i32>} : memref<512xi32, #tpu.memory_space<vmem>>, vector<16xi32>,
      %gather3A_113 = tpu.vector_load_idx %run_scoped3A[%get3A_112] : memref<1001xf32, #tpu.memory_space<vmem>>[vector<16xi32>], vector<16xf32>,
      %swap3A_114 = arith.constant 336 : index
      %swap3A_115 = tpu.vector_load %run_scoped3A_2[%swap3A_114] {strides = array<i32>} : memref<512xf32, #tpu.memory_space<vmem>>, vector<16xf32>,
      tpu.vector_store %run_scoped3A_2[%swap3A_114], %gather3A_113 {strides = array<i32>} : memref<512xf32, #tpu.memory_space<vmem>>, vector<16xf32>,
      %get3A_116 = arith.constant 352 : index
      %get3A_117 = tpu.vector_load %run_scoped3A_1[%get3A_116] {strides = array<i32>} : memref<512xi32, #tpu.memory_space<vmem>>, vector<16xi32>,
      %gather3A_118 = tpu.vector_load_idx %run_scoped3A[%get3A_117] : memref<1001xf32, #tpu.memory_space<vmem>>[vector<16xi32>], vector<16xf32>,
      %swap3A_119 = arith.constant 352 : index
      %swap3A_120 = tpu.vector_load %run_scoped3A_2[%swap3A_119] {strides = array<i32>} : memref<512xf32, #tpu.memory_space<vmem>>, vector<16xf32>,
      tpu.vector_store %run_scoped3A_2[%swap3A_119], %gather3A_118 {strides = array<i32>} : memref<512xf32, #tpu.memory_space<vmem>>, vector<16xf32>,
      %get3A_121 = arith.constant 368 : index
      %get3A_122 = tpu.vector_load %run_scoped3A_1[%get3A_121] {strides = array<i32>} : memref<512xi32, #tpu.memory_space<vmem>>, vector<16xi32>,
      %gather3A_123 = tpu.vector_load_idx %run_scoped3A[%get3A_122] : memref<1001xf32, #tpu.memory_space<vmem>>[vector<16xi32>], vector<16xf32>,
      %swap3A_124 = arith.constant 368 : index
      %swap3A_125 = tpu.vector_load %run_scoped3A_2[%swap3A_124] {strides = array<i32>} : memref<512xf32, #tpu.memory_space<vmem>>, vector<16xf32>,
      tpu.vector_store %run_scoped3A_2[%swap3A_124], %gather3A_123 {strides = array<i32>} : memref<512xf32, #tpu.memory_space<vmem>>, vector<16xf32>,
      %get3A_126 = arith.constant 384 : index
      %get3A_127 = tpu.vector_load %run_scoped3A_1[%get3A_126] {strides = array<i32>} : memref<512xi32, #tpu.memory_space<vmem>>, vector<16xi32>,
      %gather3A_128 = tpu.vector_load_idx %run_scoped3A[%get3A_127] : memref<1001xf32, #tpu.memory_space<vmem>>[vector<16xi32>], vector<16xf32>,
      %swap3A_129 = arith.constant 384 : index
      %swap3A_130 = tpu.vector_load %run_scoped3A_2[%swap3A_129] {strides = array<i32>} : memref<512xf32, #tpu.memory_space<vmem>>, vector<16xf32>,
      tpu.vector_store %run_scoped3A_2[%swap3A_129], %gather3A_128 {strides = array<i32>} : memref<512xf32, #tpu.memory_space<vmem>>, vector<16xf32>,
      %get3A_131 = arith.constant 400 : index
      %get3A_132 = tpu.vector_load %run_scoped3A_1[%get3A_131] {strides = array<i32>} : memref<512xi32, #tpu.memory_space<vmem>>, vector<16xi32>,
      %gather3A_133 = tpu.vector_load_idx %run_scoped3A[%get3A_132] : memref<1001xf32, #tpu.memory_space<vmem>>[vector<16xi32>], vector<16xf32>,
      %swap3A_134 = arith.constant 400 : index
      %swap3A_135 = tpu.vector_load %run_scoped3A_2[%swap3A_134] {strides = array<i32>} : memref<512xf32, #tpu.memory_space<vmem>>, vector<16xf32>,
      tpu.vector_store %run_scoped3A_2[%swap3A_134], %gather3A_133 {strides = array<i32>} : memref<512xf32, #tpu.memory_space<vmem>>, vector<16xf32>,
      %get3A_136 = arith.constant 416 : index
      %get3A_137 = tpu.vector_load %run_scoped3A_1[%get3A_136] {strides = array<i32>} : memref<512xi32, #tpu.memory_space<vmem>>, vector<16xi32>,
      %gather3A_138 = tpu.vector_load_idx %run_scoped3A[%get3A_137] : memref<1001xf32, #tpu.memory_space<vmem>>[vector<16xi32>], vector<16xf32>,
      %swap3A_139 = arith.constant 416 : index
      %swap3A_140 = tpu.vector_load %run_scoped3A_2[%swap3A_139] {strides = array<i32>} : memref<512xf32, #tpu.memory_space<vmem>>, vector<16xf32>,
      tpu.vector_store %run_scoped3A_2[%swap3A_139], %gather3A_138 {strides = array<i32>} : memref<512xf32, #tpu.memory_space<vmem>>, vector<16xf32>,
      %get3A_141 = arith.constant 432 : index
      %get3A_142 = tpu.vector_load %run_scoped3A_1[%get3A_141] {strides = array<i32>} : memref<512xi32, #tpu.memory_space<vmem>>, vector<16xi32>,
      %gather3A_143 = tpu.vector_load_idx %run_scoped3A[%get3A_142] : memref<1001xf32, #tpu.memory_space<vmem>>[vector<16xi32>], vector<16xf32>,
      %swap3A_144 = arith.constant 432 : index
      %swap3A_145 = tpu.vector_load %run_scoped3A_2[%swap3A_144] {strides = array<i32>} : memref<512xf32, #tpu.memory_space<vmem>>, vector<16xf32>,
      tpu.vector_store %run_scoped3A_2[%swap3A_144], %gather3A_143 {strides = array<i32>} : memref<512xf32, #tpu.memory_space<vmem>>, vector<16xf32>,
      %get3A_146 = arith.constant 448 : index
      %get3A_147 = tpu.vector_load %run_scoped3A_1[%get3A_146] {strides = array<i32>} : memref<512xi32, #tpu.memory_space<vmem>>, vector<16xi32>,
      %gather3A_148 = tpu.vector_load_idx %run_scoped3A[%get3A_147] : memref<1001xf32, #tpu.memory_space<vmem>>[vector<16xi32>], vector<16xf32>,
      %swap3A_149 = arith.constant 448 : index
      %swap3A_150 = tpu.vector_load %run_scoped3A_2[%swap3A_149] {strides = array<i32>} : memref<512xf32, #tpu.memory_space<vmem>>, vector<16xf32>,
      tpu.vector_store %run_scoped3A_2[%swap3A_149], %gather3A_148 {strides = array<i32>} : memref<512xf32, #tpu.memory_space<vmem>>, vector<16xf32>,
      %get3A_151 = arith.constant 464 : index
      %get3A_152 = tpu.vector_load %run_scoped3A_1[%get3A_151] {strides = array<i32>} : memref<512xi32, #tpu.memory_space<vmem>>, vector<16xi32>,
      %gather3A_153 = tpu.vector_load_idx %run_scoped3A[%get3A_152] : memref<1001xf32, #tpu.memory_space<vmem>>[vector<16xi32>], vector<16xf32>,
      %swap3A_154 = arith.constant 464 : index
      %swap3A_155 = tpu.vector_load %run_scoped3A_2[%swap3A_154] {strides = array<i32>} : memref<512xf32, #tpu.memory_space<vmem>>, vector<16xf32>,
      tpu.vector_store %run_scoped3A_2[%swap3A_154], %gather3A_153 {strides = array<i32>} : memref<512xf32, #tpu.memory_space<vmem>>, vector<16xf32>,
      %get3A_156 = arith.constant 480 : index
      %get3A_157 = tpu.vector_load %run_scoped3A_1[%get3A_156] {strides = array<i32>} : memref<512xi32, #tpu.memory_space<vmem>>, vector<16xi32>,
      %gather3A_158 = tpu.vector_load_idx %run_scoped3A[%get3A_157] : memref<1001xf32, #tpu.memory_space<vmem>>[vector<16xi32>], vector<16xf32>,
      %swap3A_159 = arith.constant 480 : index
      %swap3A_160 = tpu.vector_load %run_scoped3A_2[%swap3A_159] {strides = array<i32>} : memref<512xf32, #tpu.memory_space<vmem>>, vector<16xf32>,
      tpu.vector_store %run_scoped3A_2[%swap3A_159], %gather3A_158 {strides = array<i32>} : memref<512xf32, #tpu.memory_space<vmem>>, vector<16xf32>,
      %get3A_161 = arith.constant 496 : index
      %get3A_162 = tpu.vector_load %run_scoped3A_1[%get3A_161] {strides = array<i32>} : memref<512xi32, #tpu.memory_space<vmem>>, vector<16xi32>,
      %gather3A_163 = tpu.vector_load_idx %run_scoped3A[%get3A_162] : memref<1001xf32, #tpu.memory_space<vmem>>[vector<16xi32>], vector<16xf32>,
      %swap3A_164 = arith.constant 496 : index
      %swap3A_165 = tpu.vector_load %run_scoped3A_2[%swap3A_164] {strides = array<i32>} : memref<512xf32, #tpu.memory_space<vmem>>, vector<16xf32>,
      tpu.vector_store %run_scoped3A_2[%swap3A_164], %gather3A_163 {strides = array<i32>} : memref<512xf32, #tpu.memory_space<vmem>>, vector<16xf32>,
      "tpu.region"() ({
        %run_scoped3A_166 = tpu.sem_alloc : memref<!tpu.dma_semaphore, #tpu.memory_space<semaphore_mem>>
        %dma_start3A_167 = tpu.memref_slice %arg4[%mul3A_0] : memref<4096xf32, #tpu.memory_space<hbm>> -> memref<512xf32, #tpu.memory_space<hbm>>
        %dma_start3A_168 = tpu.memref_slice %arg4[%mul3A_0] : memref<4096xf32, #tpu.memory_space<hbm>> -> memref<512xf32, #tpu.memory_space<hbm>>
        tpu.enqueue_dma source(%run_scoped3A_2 : memref<512xf32, #tpu.memory_space<vmem>>) target(%dma_start3A_168 : memref<512xf32, #tpu.memory_space<hbm>>) target_semaphore(%run_scoped3A_166 : memref<!tpu.dma_semaphore, #tpu.memory_space<semaphore_mem>>)
        %dma_wait3A_169 = tpu.memref_slice %arg4[%mul3A_0] : memref<4096xf32, #tpu.memory_space<hbm>> -> memref<512xf32, #tpu.memory_space<hbm>>
        %dma_wait3A_170 = tpu.memref_slice %arg4[%mul3A_0] : memref<4096xf32, #tpu.memory_space<hbm>> -> memref<512xf32, #tpu.memory_space<hbm>>
        tpu.wait_dma2 semaphore(%run_scoped3A_166 : memref<!tpu.dma_semaphore, #tpu.memory_space<semaphore_mem>>) src(%run_scoped3A_2 : memref<512xf32, #tpu.memory_space<vmem>>) dst(%dma_wait3A_170 : memref<512xf32, #tpu.memory_space<hbm>>)
        tpu.yield
      }) : () -> ()
      tpu.yield
    }) : () -> ()
    return
  }
}

</mosaic_0001>

<sc_bundles>
// kernel: kernel.3.cloned.1.call-start
scs
__scs_entry_jumppad:
0x0: {  	(pc) =	sbr.rel $0x88, $3  }
0x1: {  	(tag) =	ssettag $0x0;
	lr =	simm.s32 $0x1  }
0x2: {  	[smem:$0x3F9F] =	sst lr;
	_ =	strace $0xD0000000  }
0x3: {  	_ = 	snop  }
0x4: {  	_ = 	snop  }
0x5: {  	_ = 	snop  }
0x6: {  	_ = 	snop  }
0x7: {  	_ = 	snop  }
__scs_overlays_trampoline_lowered:
0x8: {  	[smem:$0x3FAE] =	sst s0  }
0x9: {  	[smem:$0x3FAF] =	sst s1  }
0xa: {  	[smem:$0x3FB0] =	sst s2  }
0xb: {  	[smem:$0x3FB1] =	sst s3  }
0xc: {  	[smem:$0x3FB2] =	sst s4  }
0xd: {  	[smem:$0x3FB3] =	sst s5  }
0xe: {  	[smem:$0x3FB4] =	sst s6  }
0xf: {  	[smem:$0x3FB5] =	sst s7  }
0x10: {  	[smem:$0x3FB6] =	sst s8  }
0x11: {  	[smem:$0x3FB7] =	sst s9;
	s0 =	simm.s32 @!p0 $0x0  }
0x12: {  	s1 =	sld [smem:$0x3F9D];
	s0 =	simm.s32 @p0 $0x1  }
0x13: {  	[smem:$0x3FB8] =	sst s0;
	s0 =	simm.s32 @!p1 $0x0  }
0x14: {  	s2 =	sld [smem:$0x3F9C];
	s0 =	simm.s32 @p1 $0x1  }
0x15: {  	[smem:$0x3FB9] =	sst s0;
	s0 =	simm.s32 @!p2 $0x0  }
0x16: {  	s3 =	sld [smem:$0x3FDB];
	s0 =	simm.s32 @p2 $0x1  }
0x17: {  	s4 =	simm.s32 $0x1BF5;
	[smem:$0x3FBB] =	sst s0  }
0x18: {  	s0 =	sld [smem:$0x3F9E];
	_ =	swait.ge [sflag:s4], $0x0  }
0x19: {  	s7 =	sld [smem:$0x3F9F]  }
0x1a: {  	s8 =	sadd.s32 $0xFFFFE003, lr  }
0x1b: {  	s9 =	sadd.s32 $0xFFFFFEF7, lr;
	s5 =	simm.s32 $0xFFFFFFFF;
	p2 =	slt.u32 s8, $0xFFFFF086  }
0x1c: {  	p1 =	slt.u32 s9, $0xF7A;
	s5 =	simm.s32 @!p2 $0x0  }
0x1d: {  	s5 =	simm.s32 @p1 $0x1;
	p0 =	seq.s32 s7, s2  }
0x1e: {  	s7 =	smul.u32 @!p0 $0xF7A, s2;
	p2 =	seq.s32 @!p0 s5, $0x0  }
0x1f: {  	s9 =	smul.u32 $0xF7A, s1;
	s8 =	simm.s32 @!p0 $0x1BF5;
	p2 =	por !p2, p0  }
0x20: {  	[sflag:s8] =	ssyncset.s32 @!p0 $0xFFFFF086;
	s6 =	sadd.s32 @!p0 s3, s7;
	s7 =	simm.s32 @!p0 $0x108  }
0x21: {  	s3 =	sadd.s32 s3, s9;
	s6 =	sadd.s32 @!p0 $0x88, s6;
	s7 =	simm.s32 @p2 $0x1082  }
0x22: {  	[simem:s7], [sflag:s8] =	dma.local @!p0 [hbm:s6], $0xF7A  }
0x23: {  	s9 =	sor.u32 $0xD0000000, s2;
	s6 =	simm.s32 $0x108;
	_ =	swait.ge @!p0 [sflag:s8], $0x0  }
0x24: {  	s3 =	sadd.s32 $0x88, s3;
	s6 =	simm.s32 @!p1 $0x1082;
	[sflag:s4] =	ssyncset.s32 $0xFFFFF086  }
0x25: {  	[simem:s6], [sflag:s4] =	dma.local [hbm:s3], $0xF7A  }
0x26: {  	[smem:$0x3F9F] =	sst s1;
	(tag) =	ssettag s2;
	_ =	strace s9  }
0x27: {  	s1 =	sld [smem:$0x3FAF]  }
0x28: {  	s2 =	sld [smem:$0x3FB0]  }
0x29: {  	s4 =	sld [smem:$0x3FB2]  }
0x2a: {  	p0 =	seq.s32 s5, $0x0;
	s5 =	sld [smem:$0x3FB3]  }
0x2b: {  	s6 =	sld [smem:$0x3FB4]  }
0x2c: {  	s7 =	sld [smem:$0x3FB5]  }
0x2d: {  	s3 =	simm.s32 $0x108;
	s8 =	sld [smem:$0x3FB6]  }
0x2e: {  	s3 =	simm.s32 @!p0 $0x1082;
	s9 =	sld [smem:$0x3FB7]  }
0x2f: {  	lr =	sadd.s32 s0, s3;
	s0 =	sld [smem:$0x3FAE]  }
0x30: {  	s3 =	sld [smem:$0x3FB1]  }
0x31: {  	[smem:$0x3FBA] =	sst s10  }
0x32: {  	s10 =	sld [smem:$0x3FB8];
	_ =	sdelay $0x3  }
0x33: {  	p0 =	seq.s32 s10, $0x1;
	s10 =	sld [smem:$0x3FBA];
	_ =	sdelay $0x3  }
0x34: {  	[smem:$0x3FBA] =	sst s10  }
0x35: {  	s10 =	sld [smem:$0x3FB9];
	_ =	sdelay $0x3  }
0x36: {  	p1 =	seq.s32 s10, $0x1;
	s10 =	sld [smem:$0x3FBA];
	_ =	sdelay $0x3  }
0x37: {  	[smem:$0x3FBA] =	sst s10  }
0x38: {  	s10 =	sld [smem:$0x3FBB]  }
0x39: {  	_ = 	snop;
	(pc) =	sbr.ind lr, $3  }
0x3a: {  	_ = 	snop  }
0x3b: {  	_ = 	snop  }
0x3c: {  	p2 =	seq.s32 s10, $0x1;
	s10 =	sld [smem:$0x3FBA]  }
0x3d: {  	_ =	shalt  }
0x3e: {  	_ =	shalt  }
0x3f: {  	_ =	shalt  }
0x40: {  	_ =	shalt  }
0x41: {  	_ =	shalt  }
0x42: {  	_ =	shalt  }
0x43: {  	_ =	shalt  }
0x44: {  	_ =	shalt  }
0x45: {  	_ =	shalt  }
0x46: {  	_ =	shalt  }
0x47: {  	_ =	shalt  }
0x48: {  	_ =	shalt  }
0x49: {  	_ =	shalt  }
0x4a: {  	_ =	shalt  }
0x4b: {  	_ =	shalt  }
0x4c: {  	_ =	shalt  }
0x4d: {  	_ =	shalt  }
0x4e: {  	_ =	shalt  }
0x4f: {  	_ =	shalt  }
0x50: {  	_ =	shalt  }
0x51: {  	_ =	shalt  }
0x52: {  	_ =	shalt  }
0x53: {  	_ =	shalt  }
0x54: {  	_ =	shalt  }
0x55: {  	_ =	shalt  }
0x56: {  	_ =	shalt  }
0x57: {  	_ =	shalt  }
0x58: {  	_ =	shalt  }
0x59: {  	_ =	shalt  }
0x5a: {  	_ =	shalt  }
0x5b: {  	_ =	shalt  }
0x5c: {  	_ =	shalt  }
0x5d: {  	_ =	shalt  }
0x5e: {  	_ =	shalt  }
0x5f: {  	_ =	shalt  }
0x60: {  	_ =	shalt  }
0x61: {  	_ =	shalt  }
0x62: {  	_ =	shalt  }
0x63: {  	_ =	shalt  }
0x64: {  	_ =	shalt  }
0x65: {  	_ =	shalt  }
0x66: {  	_ =	shalt  }
0x67: {  	_ =	shalt  }
0x68: {  	_ =	shalt  }
0x69: {  	_ =	shalt  }
0x6a: {  	_ =	shalt  }
0x6b: {  	_ =	shalt  }
0x6c: {  	_ =	shalt  }
0x6d: {  	_ =	shalt  }
0x6e: {  	_ =	shalt  }
0x6f: {  	_ =	shalt  }
0x70: {  	_ =	shalt  }
0x71: {  	_ =	shalt  }
0x72: {  	_ =	shalt  }
0x73: {  	_ =	shalt  }
0x74: {  	_ =	shalt  }
0x75: {  	_ =	shalt  }
0x76: {  	_ =	shalt  }
0x77: {  	_ =	shalt  }
0x78: {  	_ =	shalt  }
0x79: {  	_ =	shalt  }
0x7a: {  	_ =	shalt  }
0x7b: {  	_ =	shalt  }
0x7c: {  	_ =	shalt  }
0x7d: {  	_ =	shalt  }
0x7e: {  	_ =	shalt  }
0x7f: {  	_ =	shalt  }
0x80: {  	_ =	shalt  }
0x81: {  	_ =	shalt  }
0x82: {  	_ =	shalt  }
0x83: {  	_ =	shalt  }
0x84: {  	_ =	shalt  }
0x85: {  	_ =	shalt  }
0x86: {  	_ =	shalt  }
0x87: {  	_ =	shalt  }
.Lfunc_end0:
.L_simem_size_0:
called_computation_lowered:
.L_overlay_start_0:
0x88: {  	s0 =	sld [smem:$0x3FD9]  }
0x89: {  	s1 =	sld [smem:$0x3FFE];
	_ =	sdelay $0x3  }
0x8a: {  	s0 =	sadd.s32 s1, s0  }
0x8b: {  	[smem:$0x3FC6] =	sst s0  }
0x8c: {  	_ = 	snop  }
0x8d: {  	s25 =	sld [smem:$0x3FC9]  }
0x8e: {  	s2 =	sld [smem:$0x3FC8]  }
0x8f: {  	s3 =	sld [smem:$0x3FD0];
	(tm) =	ssettm $0x1  }
0x90: {  	s26 =	sld [smem:$0x3FFB];
	_ =	sdelay $0x3  }
0x91: {  	_ =	strace s26  }
0x92: {  	s0 =	sld [smem:$0x3FFC];
	_ =	sdelay $0x3  }
0x93: {  	_ =	strace s0  }
0x94: {  	s0 =	sld [smem:$0x3FFD];
	_ =	sdelay $0x3  }
0x95: {  	_ =	strace s0  }
0x96: {  	_ =	strace $0x8FFFFFFF  }
0x97: {  	s28 =	sld [smem:$0x3FDB];
	_ =	sdelay $0x1  }
0x98: {  	s4 =	simm.s32 $_scs_section_size  }
0x99: {  	s5 =	simm.s32 $_size__tile_overlayer_lowered;
	s6 =	simm.s32 $_tile_overlayer_lowered  }
0x9a: {  	s7 =	simm.s32 $0x1BFF;
	s29 =	sshll.u32 s6, $0x1;
	s4 =	sadd.s32 s4, s28  }
0x9b: {  	s5 =	sshll.u32 s5, $0x1;
	s0 =	simm.s32 $0x0;
	s6 =	sadd.s32 s29, s4  }
0x9c: {  	[timem:s0], [sflag:s7] =	dma.local [hbm:s6], s5  }
0x9d: {  	_ =	swait.ge [sflag:s7], s5  }
0x9e: {  	s5 =	ssub.s32 $0x0, s5;
	[sflag:s7] =	ssyncset.done $0x0  }
0x9f: {  	[sflag:s7] =	ssyncadd.s32 s5;
	_ =	sdelay $0x1  }
0xa0: {  	s30 =	simm.s32 $0x1B8B  }
0xa1: {  	_ =	swait.ge [sflag:s30], $0x1  }
0xa2: {  	[sflag:s30] =	ssyncset.done $0x0  }
0xa3: {  	s31 =	simm.s32 $0x1B8E;
	[sflag:s30] =	ssyncadd.s32 $0xFFFFFFFF  }
0xa4: {  	s6 =	simm.s32 $execute0_lowered;
	[smem:$0x3FD2] =	sst s31  }
0xa5: {  	s5 =	sshll.u32 s6, $0x1;
	_ =	strace $0x80000046;
	[dreg:$0x1] =	wrdreg $0xFFFFFFFF  }
0xa6: {  	s7 =	simm.s32 $_size_execute0_lowered;
	s4 =	sadd.s32 s4, s5;
	[dreg:$0x0] =	wrdreg $0x0  }
0xa7: {  	s5 =	sshll.u32 s7, $0x1;
	[dreg:$0x2] =	wrdreg s4  }
0xa8: {  	[dreg:$0x3] =	wrdreg s5  }
0xa9: {  	[dreg:$0x4] =	wrdreg $0xC0  }
0xaa: {  	_ =	task [dreg:s0], $0x5FFFF  }
0xab: {  	[dreg:$0x1] =	wrdreg $0xFFFFFFFF  }
0xac: {  	[dreg:$0x0] =	wrdreg $0x60  }
0xad: {  	[dreg:$0x2] =	wrdreg s3  }
0xae: {  	[dreg:$0x3] =	wrdreg $0x400  }
0xaf: {  	[dreg:$0x4] =	wrdreg $0x0  }
0xb0: {  	[dreg:$0x5] =	wrdreg $0x9  }
0xb1: {  	s8 =	simm.s32 $0xA;
	s9 =	simm.s32 $0x80;
	_ =	task.clear_ibuf [dreg:s0], $0x6FFFF  }
0xb2: {  	[spmem:s9], [sflag:s8] =	dma.local [hbm:s2], $0x200  }
0xb3: {  	[spmem:s0], [sflag:s8] =	dma.local [hbm:s25], $0x80  }
0xb4: {  	_ =	swait.ge [sflag:s8], $0x200  }
0xb5: {  	[sflag:s8] =	ssyncset.done $0x0  }
0xb6: {  	[sflag:s8] =	ssyncadd.s32 $0xFFFFFE00  }
0xb7: {  	s10 =	sld [smem:$0x0];
	_ =	sdelay $0x1  }
0xb8: {  	s11 =	srdreg.scid  }
0xb9: {  	s12 =	sshrl.u32 s11, $0x2  }
0xba: {  	s13 =	sand.u32 $0x2, s11;
	s1 =	sadd.s32 s12, s10  }
0xbb: {  	s5 =	sshll.u32 s13, $0xE;
	s1 =	sshll.u32 s1, $0x11  }
0xbc: {  	s1 =	sor.u32 s1, s5  }
0xbd: {  	s5 =	sor.u32 $0x11C01, s1  }
0xbe: {  	s14 =	sor.u32 $0x11C41, s1;
	[sflag:s5] =	ssyncadd.remote.s32 $0x1  }
0xbf: {  	s15 =	sor.u32 $0x11C81, s1;
	[sflag:s14] =	ssyncadd.remote.s32 $0x1  }
0xc0: {  	s16 =	sor.u32 $0x11CC1, s1;
	[sflag:s15] =	ssyncadd.remote.s32 $0x1  }
0xc1: {  	s17 =	sor.u32 $0x11D01, s1;
	[sflag:s16] =	ssyncadd.remote.s32 $0x1  }
0xc2: {  	s18 =	sor.u32 $0x11D41, s1;
	[sflag:s17] =	ssyncadd.remote.s32 $0x1  }
0xc3: {  	s19 =	sor.u32 $0x11D81, s1;
	[sflag:s18] =	ssyncadd.remote.s32 $0x1  }
0xc4: {  	s20 =	sor.u32 $0x11DC1, s1;
	[sflag:s19] =	ssyncadd.remote.s32 $0x1  }
0xc5: {  	[sflag:s20] =	ssyncadd.remote.s32 $0x1;
	_ =	sdelay $0x2  }
0xc6: {  	_ =	swait.ge [sflag:s8], $0x80  }
0xc7: {  	[sflag:s8] =	ssyncset.done $0x0  }
0xc8: {  	s21 =	sor.u32 $0x11C02, s1;
	[sflag:s8] =	ssyncadd.s32 $0xFFFFFF80  }
0xc9: {  	s22 =	sor.u32 $0x11C42, s1;
	[sflag:s21] =	ssyncadd.remote.s32 $0x1  }
0xca: {  	s23 =	sor.u32 $0x11C82, s1;
	[sflag:s22] =	ssyncadd.remote.s32 $0x1  }
0xcb: {  	s24 =	sor.u32 $0x11CC2, s1;
	[sflag:s23] =	ssyncadd.remote.s32 $0x1  }
0xcc: {  	s25 =	sor.u32 $0x11D02, s1;
	[sflag:s24] =	ssyncadd.remote.s32 $0x1  }
0xcd: {  	s26 =	sor.u32 $0x11D42, s1;
	[sflag:s25] =	ssyncadd.remote.s32 $0x1  }
0xce: {  	s28 =	sor.u32 $0x11D82, s1;
	[sflag:s26] =	ssyncadd.remote.s32 $0x1  }
0xcf: {  	s1 =	sor.u32 $0x11DC2, s1;
	[sflag:s28] =	ssyncadd.remote.s32 $0x1  }
0xd0: {  	[sflag:s1] =	ssyncadd.remote.s32 $0x1  }
0xd1: {  	_ =	strace $0x90000046  }
0xd2: {  	s29 =	simm.s32 $0x9;
	_ =	strace $0x80000048  }
0xd3: {  	_ =	swait.ge [sflag:s29], $0x1  }
0xd4: {  	[sflag:s29] =	ssyncadd.s32 $0xFFFFFFFF  }
0xd5: {  	_ =	strace $0x90000048  }
0xd6: {  	_ =	sfence  }
0xd7: {  	s30 =	sld [smem:$0x0];
	_ =	sdelay $0x2  }
0xd8: {  	s31 =	sshll.u32 s11, $0xD  }
0xd9: {  	s3 =	sand.u32 $0x4000, s31;
	s2 =	sand.u32 $0x1, s11;
	s1 =	sadd.s32 s12, s30  }
0xda: {  	s2 =	sor.u32 s3, s2;
	s1 =	sshll.u32 s1, $0x11  }
0xdb: {  	s1 =	sor.u32 s1, s2  }
0xdc: {  	s1 =	sadd.s32 $0x8F2B, s1  }
0xdd: {  	[sflag:s1] =	ssyncadd.remote.s32 $0x1  }
0xde: {  	_ =	sfence.sel $0xFFFF  }
0xdf: {  	[dreg:$0x0] =	wrdreg $0xFFFFFFFF;
	(pc) =	sbr.abs _section_cstart, $3  }
0xe0: {  	[dreg:$0x1] =	wrdreg $0xFFFFFFFF  }
0xe1: {  	_ =	task.clear_ibuf [dreg:s0], $0x2FFFF;
	_ =	strace $0x9FFFFFFF  }
0xe2: {  	(tm) =	ssettm $0x7FFFFFFF  }
0xe3: {  	_ =	shalt  }
tec
execute0_lowered:
.L_overlay_start_1:
0x0: {  	(tag) =	ssettag $0x1  }
0x1: {  	s1 =	stileid.u32  }
0x2: {  	p0 =	sgt.u32 s1, $0x7  }
.Ltmp0:
0x3: {  	s2 =	rddreg [dreg:$0x0];
	(pc) =	sbr.rel @p0 .LBB2_2-.Ltmp0, $4  }
0x4: {  	s4 =	rddreg [dreg:$0x1]  }
0x5: {  	s5 =	rddreg [dreg:$0x2];
	s3 =	simm.s32 $0x0  }
0x6: {  	[smem:$0x7FF] =	sst s3  }
0x7: {  	s0 =	rddreg [dreg:$0x3];
	_ =	strace $0x80000047  }
0x8: {  	s6 =	simm.s32 $0x1  }
0x9: {  	_ =	swait.ge [sflag:s6], $0x1  }
0xa: {  	s7 =	sshll.u32 s1, $0x9;
	s24 =	simm.s32 $0x540;
	[sflag:s6] =	ssyncset.done $0x0  }
0xb: {  	s25 =	simm.s32 $0x2;
	s4 =	sadd.s32 s7, s4;
	[sflag:s6] =	ssyncadd.s32 $0xFFFFFFFF  }
0xc: {  	[tilespmem:s24], [sflag:$0x3] =	stream.linear.gather [spmem:s4], $0x200, $0x38;
	[tilespmem:$0x940] =	vst v63  }
0xd: {  	_ =	swait.ge [sflag:s25], $0x1  }
0xe: {  	[sflag:s25] =	ssyncset.done $0x0  }
0xf: {  	s26 =	simm.s32 $0x140;
	s28 =	simm.s32 $0x3;
	[sflag:s25] =	ssyncadd.s32 $0xFFFFFFFF  }
0x10: {  	[tilespmem:s26], [sflag:$0x3] =	stream.linear.gather [spmem:s5], $0x400, $0x38;
	[tilespmem:$0x940] =	vst v63  }
0x11: {  	_ =	swait.ge [sflag:s28], $0x200  }
0x12: {  	[sflag:s28] =	ssyncset.done $0x0  }
0x13: {  	[sflag:s28] =	ssyncadd.s32 $0xFFFFFE00  }
0x14: {  	_ =	swait.ge [sflag:s28], $0x400  }
0x15: {  	[sflag:s28] =	ssyncset.done $0x0  }
0x16: {  	[sflag:s28] =	ssyncadd.s32 $0xFFFFFC00  }
0x17: {  	v0 =	vld [tilespmem:$0x540]  }
0x18: {  	v1 =	vld [tilespmem:$0x550]  }
0x19: {  	v2 =	vld [tilespmem:$0x560]  }
0x1a: {  	v3 =	vld [tilespmem:$0x570]  }
0x1b: {  	v4 =	vld [tilespmem:$0x580]  }
0x1c: {  	v5 =	vld [tilespmem:$0x590]  }
0x1d: {  	v6 =	vld [tilespmem:$0x5A0]  }
0x1e: {  	v7 =	vld [tilespmem:$0x5B0]  }
0x1f: {  	v8 =	vld [tilespmem:$0x5C0]  }
0x20: {  	v9 =	vld [tilespmem:$0x5D0]  }
0x21: {  	v10 =	vld [tilespmem:$0x5E0]  }
0x22: {  	v11 =	vld [tilespmem:$0x5F0]  }
0x23: {  	v12 =	vld [tilespmem:$0x600]  }
0x24: {  	v13 =	vld [tilespmem:$0x610]  }
0x25: {  	v14 =	vld [tilespmem:$0x620]  }
0x26: {  	v15 =	vld [tilespmem:$0x630]  }
0x27: {  	v16 =	vld [tilespmem:$0x640]  }
0x28: {  	v17 =	vld [tilespmem:$0x650]  }
0x29: {  	v18 =	vld [tilespmem:$0x660]  }
0x2a: {  	v19 =	vld [tilespmem:$0x670]  }
0x2b: {  	v20 =	vld [tilespmem:$0x680]  }
0x2c: {  	v42 =	vld [tilespmem:$0x690]  }
0x2d: {  	v43 =	vld [tilespmem:$0x6A0]  }
0x2e: {  	v44 =	vld [tilespmem:$0x6B0]  }
0x2f: {  	v50 =	vld [tilespmem:$0x6C0]  }
0x30: {  	v51 =	vld [tilespmem:$0x6D0]  }
0x31: {  	v52 =	vld [tilespmem:$0x6E0]  }
0x32: {  	v53 =	vld [tilespmem:$0x6F0]  }
0x33: {  	v54 =	vld [tilespmem:$0x700]  }
0x34: {  	v55 =	vld [tilespmem:$0x710]  }
0x35: {  	v56 =	vld [tilespmem:$0x720]  }
0x36: {  	v57 =	vld [tilespmem:$0x730]  }
0x37: {  	v0 =	vld.idx.msk [tilespmem:v0+s26+$0x0], $0xffff  }
0x38: {  	v1 =	vld.idx.msk [tilespmem:v1+s26+$0x0], $0xffff  }
0x39: {  	v2 =	vld.idx.msk [tilespmem:v2+s26+$0x0], $0xffff  }
0x3a: {  	v3 =	vld.idx.msk [tilespmem:v3+s26+$0x0], $0xffff  }
0x3b: {  	v4 =	vld.idx.msk [tilespmem:v4+s26+$0x0], $0xffff  }
0x3c: {  	v5 =	vld.idx.msk [tilespmem:v5+s26+$0x0], $0xffff;
	[tilespmem:$0x740] =	vst v0  }
0x3d: {  	v6 =	vld.idx.msk [tilespmem:v6+s26+$0x0], $0xffff;
	[tilespmem:$0x750] =	vst v1  }
0x3e: {  	v7 =	vld.idx.msk [tilespmem:v7+s26+$0x0], $0xffff;
	[tilespmem:$0x760] =	vst v2  }
0x3f: {  	v8 =	vld.idx.msk [tilespmem:v8+s26+$0x0], $0xffff;
	[tilespmem:$0x770] =	vst v3  }
0x40: {  	v9 =	vld.idx.msk [tilespmem:v9+s26+$0x0], $0xffff;
	[tilespmem:$0x780] =	vst v4  }
0x41: {  	v10 =	vld.idx.msk [tilespmem:v10+s26+$0x0], $0xffff;
	[tilespmem:$0x790] =	vst v5  }
0x42: {  	v11 =	vld.idx.msk [tilespmem:v11+s26+$0x0], $0xffff;
	[tilespmem:$0x7A0] =	vst v6  }
0x43: {  	v12 =	vld.idx.msk [tilespmem:v12+s26+$0x0], $0xffff;
	[tilespmem:$0x7B0] =	vst v7  }
0x44: {  	v13 =	vld.idx.msk [tilespmem:v13+s26+$0x0], $0xffff;
	[tilespmem:$0x7C0] =	vst v8  }
0x45: {  	v14 =	vld.idx.msk [tilespmem:v14+s26+$0x0], $0xffff;
	[tilespmem:$0x7D0] =	vst v9  }
0x46: {  	v15 =	vld.idx.msk [tilespmem:v15+s26+$0x0], $0xffff;
	[tilespmem:$0x7E0] =	vst v10  }
0x47: {  	v45 =	vld.idx.msk [tilespmem:v16+s26+$0x0], $0xffff;
	[tilespmem:$0x7F0] =	vst v11  }
0x48: {  	v46 =	vld.idx.msk [tilespmem:v17+s26+$0x0], $0xffff;
	[tilespmem:$0x800] =	vst v12  }
0x49: {  	v47 =	vld.idx.msk [tilespmem:v18+s26+$0x0], $0xffff;
	[tilespmem:$0x810] =	vst v13  }
0x4a: {  	v48 =	vld.idx.msk [tilespmem:v19+s26+$0x0], $0xffff;
	[tilespmem:$0x820] =	vst v14  }
0x4b: {  	v49 =	vld.idx.msk [tilespmem:v20+s26+$0x0], $0xffff;
	[tilespmem:$0x830] =	vst v15  }
0x4c: {  	v58 =	vld.idx.msk [tilespmem:v50+s26+$0x0], $0xffff;
	[tilespmem:$0x840] =	vst v45  }
0x4d: {  	v59 =	vld.idx.msk [tilespmem:v51+s26+$0x0], $0xffff;
	[tilespmem:$0x850] =	vst v46  }
0x4e: {  	v60 =	vld.idx.msk [tilespmem:v52+s26+$0x0], $0xffff;
	[tilespmem:$0x860] =	vst v47  }
0x4f: {  	v61 =	vld.idx.msk [tilespmem:v53+s26+$0x0], $0xffff;
	[tilespmem:$0x870] =	vst v48  }
0x50: {  	v62 =	vld.idx.msk [tilespmem:v54+s26+$0x0], $0xffff;
	[tilespmem:$0x880] =	vst v49  }
0x51: {  	v63 =	vld.idx.msk [tilespmem:v57+s26+$0x0], $0xffff;
	[tilespmem:$0x8C0] =	vst v58  }
0x52: {  	v0 =	vld.idx.msk [tilespmem:v42+s26+$0x0], $0xffff;
	[tilespmem:$0x8D0] =	vst v59  }
0x53: {  	v1 =	vld.idx.msk [tilespmem:v43+s26+$0x0], $0xffff;
	[tilespmem:$0x8E0] =	vst v60  }
0x54: {  	v2 =	vld.idx.msk [tilespmem:v44+s26+$0x0], $0xffff;
	[tilespmem:$0x8F0] =	vst v61  }
0x55: {  	v3 =	vld.idx.msk [tilespmem:v55+s26+$0x0], $0xffff;
	[tilespmem:$0x900] =	vst v62  }
0x56: {  	v4 =	vld.idx.msk [tilespmem:v56+s26+$0x0], $0xffff;
	[tilespmem:$0x930] =	vst v63  }
0x57: {  	[tilespmem:$0x890] =	vst v0  }
0x58: {  	[tilespmem:$0x8A0] =	vst v1  }
0x59: {  	[tilespmem:$0x8B0] =	vst v2  }
0x5a: {  	s29 =	sshll.u32 s1, $0x6;
	[tilespmem:$0x910] =	vst v3  }
0x5b: {  	s30 =	simm.s32 $0x740;
	s31 =	simm.s32 $0x4;
	s2 =	sadd.s32 s2, s29;
	[tilespmem:$0x920] =	vst v4  }
0x5c: {  	[hbm4b:s2+s3] =	stream.linear.scatter [tilespmem:s30], [sflag:$0x4], $0x200, $0x38;
	[tilespmem:$0x940] =	vst v63  }
0x5d: {  	_ =	swait.ge [sflag:s31], $0x200  }
0x5e: {  	[sflag:s31] =	ssyncset.done $0x0  }
0x5f: {  	[sflag:s31] =	ssyncadd.s32 $0xFFFFFE00  }
.LBB2_2:
0x60: {  	_ =	sfence.sel $0x180000  }
0x61: {  	[bflag:$0x0] =	sbarrier.arrive $0xFFFF  }
0x62: {  	p0 =	sne.s32 s1, $0x0;
	_ =	strace $0x90000047  }
0x63: {  	s0 =	sadd.s32 @!p0 $0x100000, s0;
	[bflag:$0x2] =	sbarrier.arrive $0xFFFF  }
0x64: {  	[sflag:s0] =	ssyncadd.tile.s32 @!p0 $0x1;
	_ =	shalt  }
.Lfunc_end2:
_tile_overlayer_lowered:
.L_overlay_start_2:
0x65: {  	(tag) =	ssettag $0x2  }
0x66: {  	s0 =	rddreg [dreg:$0x0];
	s2 =	stileid.u32  }
0x67: {  	s1 =	rddreg [dreg:$0x1];
	p0 =	sne.s32 s2, $0x0  }
0x68: {  	s3 =	rddreg [dreg:$0x2];
	[bflag:$0x3] =	sbarrier.arrive $0xFFFF;
	s2 =	simm.s32 @!p0 $0x1C03  }
0x69: {  	[timem:s3], [sflag:s2] =	dma.local @!p0 [hbm:s0], s1  }
0x6a: {  	s0 =	simm.s32 @!p0 $0x3  }
0x6b: {  	_ =	swait.ge @!p0 [sflag:s0], s1  }
0x6c: {  	s1 =	ssub.s32 @!p0 $0x0, s1;
	[sflag:s0] =	ssyncset.done @!p0 $0x0  }
0x6d: {  	[sflag:s0] =	ssyncadd.s32 @!p0 s1  }
0x6e: {  	[bflag:$0x3] =	sbarrier.arrive $0xFFFF  }
0x6f: {  	_ =	shalt  }

</sc_bundles>
